<compile_context>
chip_gen: v7x
topology: tpu7x:2x2x1
jax: 0.10.2.dev20260603
libtpu: 0.0.44.dev20260713+nightly
codegen_flags: <defaults>
</compile_context>

<pallas_src>
import functools
from itertools import combinations

import jax
import jax.numpy as jnp
from jax import lax
from jax.experimental import pallas as pl
from jax.experimental.pallas import tpu as pltpu
from jax.experimental.pallas import tpu_sc as plsc

_NUM_CLASSES = 7
_MAX_SET_SIZE = 2


def _powerset_members():
    mapping = [()]
    for set_size in range(1, _MAX_SET_SIZE + 1):
        mapping.extend(combinations(range(_NUM_CLASSES), set_size))
    members = [[] for _ in range(_NUM_CLASSES)]
    for k, classes in enumerate(mapping):
        for c in classes:
            members[c].append(k)
    return len(mapping), members


_K, _MEMBERS = _powerset_members()


def _tree_reduce(vals, op):
    vals = list(vals)
    while len(vals) > 1:
        nxt = [op(vals[i], vals[i + 1]) for i in range(0, len(vals) - 1, 2)]
        if len(vals) % 2:
            nxt.append(vals[-1])
        vals = nxt
    return vals[0]


def kernel(powerset, mapping_matrix):
    B, F, K = powerset.shape
    C = mapping_matrix.shape[1]
    assert K == _K and C == _NUM_CLASSES
    N = B * F
    x = powerset.reshape(N * K)

    NC, NS, L = 2, 16, 16
    NW = NC * NS
    RW = N // NW
    nblk = RW // L

    @functools.partial(
        pl.kernel,
        out_type=jax.ShapeDtypeStruct((N * C,), jnp.float32),
        mesh=plsc.VectorSubcoreMesh(core_axis_name="c", subcore_axis_name="s",
                                    num_cores=NC, num_subcores=NS),
        scratch_types=[
            pltpu.VMEM((RW * K,), jnp.float32),
            pltpu.VMEM((RW * C,), jnp.float32),
        ],
        compiler_params=pltpu.CompilerParams(needs_layout_passes=False),
    )
    def _run(x_hbm, out_hbm, in_v, out_v):
        wid = lax.axis_index("s") * NC + lax.axis_index("c")
        pltpu.sync_copy(x_hbm.at[pl.ds(wid * (RW * K), RW * K)], in_v)
        lanes = lax.iota(jnp.int32, L)

        def block(b, carry):
            ridx = lanes * K + b * (L * K)
            v = [plsc.load_gather(in_v, [ridx + k]) for k in range(K)]
            m = _tree_reduce(v, jnp.maximum)
            e = [jnp.exp(vk - m) for vk in v]
            r = 1.0 / _tree_reduce(e, lambda a, b_: a + b_)
            oidx = lanes * C + b * (L * C)
            for c in range(C):
                acc = _tree_reduce([e[k] for k in _MEMBERS[c]],
                                   lambda a, b_: a + b_)
                plsc.store_scatter(out_v, [oidx + c], acc * r)
            return carry

        lax.fori_loop(0, nblk, block, 0)
        pltpu.sync_copy(out_v, out_hbm.at[pl.ds(wid * (RW * C), RW * C)])

    return _run(x).reshape(B, F, C)

# --- scband reference (transcript-rebuilt; emitter-appended) ---
"""Pipeline reference for scband-powerset-8469675507714 (READ-ONLY COPY).

The authoritative reference and input builder live on the scoring server;
editing this copy changes nothing except your own understanding.
"""

import jax, jax.numpy as jnp
import numpy as np
from itertools import combinations

NUM_CLASSES = 7
MAX_SET_SIZE = 2

def _build_mapping_matrix():
    mapping = [()]
    for set_size in range(1, MAX_SET_SIZE + 1):
        for speakers in combinations(range(NUM_CLASSES), set_size):
            mapping.append(speakers)
    num_powerset_classes = len(mapping)
    mat = np.zeros((num_powerset_classes, NUM_CLASSES), dtype=np.float32)
    for k, val in enumerate(mapping):
        for v in val:
            mat[k, v] = 1.0
    return mat


def setup_inputs(seed: int = 0) -> dict:
    key = jax.random.key(seed)
    mapping_matrix = jnp.asarray(_build_mapping_matrix())  # (29, 7)
    num_powerset_classes = mapping_matrix.shape[0]
    powerset = jax.random.normal(key, (32, 2048, num_powerset_classes), dtype=jnp.float32)
    return {"powerset": powerset, "mapping_matrix": mapping_matrix}


def reference(powerset, mapping_matrix):
    # Faithful translation of Powerset.to_multilabel for float (probabilistic) input:
    # input is logits over powerset classes -> softmax -> matmul with 0/1 mapping matrix
    num_powerset_classes = mapping_matrix.shape[0]
    if powerset.shape[-1] == num_powerset_classes:
        powerset_probs = jax.nn.softmax(powerset, axis=-1)
    else:
        powerset_probs = powerset
    multilabel = jnp.matmul(powerset_probs, mapping_matrix)  # (B, F, num_classes)
    return multilabel

if __name__ == "__main__":
    import jax
    _d = setup_inputs()
    print(jax.jit(kernel)(*tuple(_d.values())))

</pallas_src>

<mosaic_0001>
#map = affine_map<(d0, d1) -> (0)>
module attributes {stable_mosaic.version = 14 : i64} {
  func.func @_run(%arg0: i32, %arg1: i32, %arg2: memref<1900544xf32, #tpu.memory_space<hbm>>, %arg3: memref<458752xf32, #tpu.memory_space<hbm>>, %arg4: memref<59392xf32, #tpu.memory_space<vmem>>, %arg5: memref<14336xf32, #tpu.memory_space<vmem>>) attributes {dimension_semantics = [#tpu.dimension_semantics<core_parallel>, #tpu.dimension_semantics<subcore_parallel>], iteration_bounds = array<i64: 2, 16>, scalar_prefetch = 0 : i64, scratch_operands = 2 : i64, tpu.core_type = #tpu.core_type<sc_vector_subcore>, window_params = [{transform_indices = #map}, {transform_indices = #map}]} {
    %mul3A = arith.constant 2 : i32
    %mul3A_0 = arith.muli %arg1, %mul3A : i32
    %add3A = arith.addi %mul3A_0, %arg0 : i32
    %mul3A_1 = arith.constant 59392 : i32
    %mul3A_2 = arith.muli %add3A, %mul3A_1 : i32
    "tpu.region"() ({
      %run_scoped3A = tpu.sem_alloc : memref<!tpu.dma_semaphore, #tpu.memory_space<semaphore_mem>>
      %dma_start3A = tpu.memref_slice %arg2[%mul3A_2] : memref<1900544xf32, #tpu.memory_space<hbm>> -> memref<59392xf32, #tpu.memory_space<hbm>>
      %dma_start3A_10 = tpu.memref_slice %arg2[%mul3A_2] : memref<1900544xf32, #tpu.memory_space<hbm>> -> memref<59392xf32, #tpu.memory_space<hbm>>
      tpu.enqueue_dma source(%dma_start3A_10 : memref<59392xf32, #tpu.memory_space<hbm>>) target(%arg4 : memref<59392xf32, #tpu.memory_space<vmem>>) target_semaphore(%run_scoped3A : memref<!tpu.dma_semaphore, #tpu.memory_space<semaphore_mem>>)
      %dma_wait3A = tpu.memref_slice %arg2[%mul3A_2] : memref<1900544xf32, #tpu.memory_space<hbm>> -> memref<59392xf32, #tpu.memory_space<hbm>>
      %dma_wait3A_11 = tpu.memref_slice %arg2[%mul3A_2] : memref<1900544xf32, #tpu.memory_space<hbm>> -> memref<59392xf32, #tpu.memory_space<hbm>>
      tpu.wait_dma2 semaphore(%run_scoped3A : memref<!tpu.dma_semaphore, #tpu.memory_space<semaphore_mem>>) src(%dma_wait3A_11 : memref<59392xf32, #tpu.memory_space<hbm>>) dst(%arg4 : memref<59392xf32, #tpu.memory_space<vmem>>)
      tpu.yield
    }) : () -> ()
    %iota3A = tpu.iota {dimensions = array<i32: 0>} : vector<16xi32>
    %scan3A = arith.constant 0 : i32
    %scan3A_3 = arith.constant 0 : i32
    %scan3A_4 = arith.constant 128 : i32
    %scan3A_5 = arith.addi %scan3A_3, %scan3A_4 : i32
    %scan3A_6 = arith.constant 1 : i32
    scf.for %scan3A_10 = %scan3A_3 to %scan3A_5 step %scan3A_6  : i32 {
      %mul3A_11 = arith.constant 29 : i32
      %mul3A_12 = vector.broadcast %mul3A_11 : i32 to vector<16xi32>
      %mul3A_13 = arith.muli %iota3A, %mul3A_12 : vector<16xi32>
      %mul3A_14 = arith.constant 464 : i32
      %mul3A_15 = arith.muli %scan3A_10, %mul3A_14 : i32
      %add3A_16 = vector.broadcast %mul3A_15 : i32 to vector<16xi32>
      %add3A_17 = arith.addi %mul3A_13, %add3A_16 : vector<16xi32>
      %add3A_18 = arith.constant 0 : i32
      %add3A_19 = vector.broadcast %add3A_18 : i32 to vector<16xi32>
      %add3A_20 = arith.addi %add3A_17, %add3A_19 : vector<16xi32>
      %gather3A = tpu.vector_load_idx %arg4[%add3A_20] : memref<59392xf32, #tpu.memory_space<vmem>>[vector<16xi32>], vector<16xf32>,
      %add3A_21 = arith.constant 1 : i32
      %add3A_22 = vector.broadcast %add3A_21 : i32 to vector<16xi32>
      %add3A_23 = arith.addi %add3A_17, %add3A_22 : vector<16xi32>
      %gather3A_24 = tpu.vector_load_idx %arg4[%add3A_23] : memref<59392xf32, #tpu.memory_space<vmem>>[vector<16xi32>], vector<16xf32>,
      %add3A_25 = arith.constant 2 : i32
      %add3A_26 = vector.broadcast %add3A_25 : i32 to vector<16xi32>
      %add3A_27 = arith.addi %add3A_17, %add3A_26 : vector<16xi32>
      %gather3A_28 = tpu.vector_load_idx %arg4[%add3A_27] : memref<59392xf32, #tpu.memory_space<vmem>>[vector<16xi32>], vector<16xf32>,
      %add3A_29 = arith.constant 3 : i32
      %add3A_30 = vector.broadcast %add3A_29 : i32 to vector<16xi32>
      %add3A_31 = arith.addi %add3A_17, %add3A_30 : vector<16xi32>
      %gather3A_32 = tpu.vector_load_idx %arg4[%add3A_31] : memref<59392xf32, #tpu.memory_space<vmem>>[vector<16xi32>], vector<16xf32>,
      %add3A_33 = arith.constant 4 : i32
      %add3A_34 = vector.broadcast %add3A_33 : i32 to vector<16xi32>
      %add3A_35 = arith.addi %add3A_17, %add3A_34 : vector<16xi32>
      %gather3A_36 = tpu.vector_load_idx %arg4[%add3A_35] : memref<59392xf32, #tpu.memory_space<vmem>>[vector<16xi32>], vector<16xf32>,
      %add3A_37 = arith.constant 5 : i32
      %add3A_38 = vector.broadcast %add3A_37 : i32 to vector<16xi32>
      %add3A_39 = arith.addi %add3A_17, %add3A_38 : vector<16xi32>
      %gather3A_40 = tpu.vector_load_idx %arg4[%add3A_39] : memref<59392xf32, #tpu.memory_space<vmem>>[vector<16xi32>], vector<16xf32>,
      %add3A_41 = arith.constant 6 : i32
      %add3A_42 = vector.broadcast %add3A_41 : i32 to vector<16xi32>
      %add3A_43 = arith.addi %add3A_17, %add3A_42 : vector<16xi32>
      %gather3A_44 = tpu.vector_load_idx %arg4[%add3A_43] : memref<59392xf32, #tpu.memory_space<vmem>>[vector<16xi32>], vector<16xf32>,
      %add3A_45 = arith.constant 7 : i32
      %add3A_46 = vector.broadcast %add3A_45 : i32 to vector<16xi32>
      %add3A_47 = arith.addi %add3A_17, %add3A_46 : vector<16xi32>
      %gather3A_48 = tpu.vector_load_idx %arg4[%add3A_47] : memref<59392xf32, #tpu.memory_space<vmem>>[vector<16xi32>], vector<16xf32>,
      %add3A_49 = arith.constant 8 : i32
      %add3A_50 = vector.broadcast %add3A_49 : i32 to vector<16xi32>
      %add3A_51 = arith.addi %add3A_17, %add3A_50 : vector<16xi32>
      %gather3A_52 = tpu.vector_load_idx %arg4[%add3A_51] : memref<59392xf32, #tpu.memory_space<vmem>>[vector<16xi32>], vector<16xf32>,
      %add3A_53 = arith.constant 9 : i32
      %add3A_54 = vector.broadcast %add3A_53 : i32 to vector<16xi32>
      %add3A_55 = arith.addi %add3A_17, %add3A_54 : vector<16xi32>
      %gather3A_56 = tpu.vector_load_idx %arg4[%add3A_55] : memref<59392xf32, #tpu.memory_space<vmem>>[vector<16xi32>], vector<16xf32>,
      %add3A_57 = arith.constant 10 : i32
      %add3A_58 = vector.broadcast %add3A_57 : i32 to vector<16xi32>
      %add3A_59 = arith.addi %add3A_17, %add3A_58 : vector<16xi32>
      %gather3A_60 = tpu.vector_load_idx %arg4[%add3A_59] : memref<59392xf32, #tpu.memory_space<vmem>>[vector<16xi32>], vector<16xf32>,
      %add3A_61 = arith.constant 11 : i32
      %add3A_62 = vector.broadcast %add3A_61 : i32 to vector<16xi32>
      %add3A_63 = arith.addi %add3A_17, %add3A_62 : vector<16xi32>
      %gather3A_64 = tpu.vector_load_idx %arg4[%add3A_63] : memref<59392xf32, #tpu.memory_space<vmem>>[vector<16xi32>], vector<16xf32>,
      %add3A_65 = arith.constant 12 : i32
      %add3A_66 = vector.broadcast %add3A_65 : i32 to vector<16xi32>
      %add3A_67 = arith.addi %add3A_17, %add3A_66 : vector<16xi32>
      %gather3A_68 = tpu.vector_load_idx %arg4[%add3A_67] : memref<59392xf32, #tpu.memory_space<vmem>>[vector<16xi32>], vector<16xf32>,
      %add3A_69 = arith.constant 13 : i32
      %add3A_70 = vector.broadcast %add3A_69 : i32 to vector<16xi32>
      %add3A_71 = arith.addi %add3A_17, %add3A_70 : vector<16xi32>
      %gather3A_72 = tpu.vector_load_idx %arg4[%add3A_71] : memref<59392xf32, #tpu.memory_space<vmem>>[vector<16xi32>], vector<16xf32>,
      %add3A_73 = arith.constant 14 : i32
      %add3A_74 = vector.broadcast %add3A_73 : i32 to vector<16xi32>
      %add3A_75 = arith.addi %add3A_17, %add3A_74 : vector<16xi32>
      %gather3A_76 = tpu.vector_load_idx %arg4[%add3A_75] : memref<59392xf32, #tpu.memory_space<vmem>>[vector<16xi32>], vector<16xf32>,
      %add3A_77 = arith.constant 15 : i32
      %add3A_78 = vector.broadcast %add3A_77 : i32 to vector<16xi32>
      %add3A_79 = arith.addi %add3A_17, %add3A_78 : vector<16xi32>
      %gather3A_80 = tpu.vector_load_idx %arg4[%add3A_79] : memref<59392xf32, #tpu.memory_space<vmem>>[vector<16xi32>], vector<16xf32>,
      %add3A_81 = arith.constant 16 : i32
      %add3A_82 = vector.broadcast %add3A_81 : i32 to vector<16xi32>
      %add3A_83 = arith.addi %add3A_17, %add3A_82 : vector<16xi32>
      %gather3A_84 = tpu.vector_load_idx %arg4[%add3A_83] : memref<59392xf32, #tpu.memory_space<vmem>>[vector<16xi32>], vector<16xf32>,
      %add3A_85 = arith.constant 17 : i32
      %add3A_86 = vector.broadcast %add3A_85 : i32 to vector<16xi32>
      %add3A_87 = arith.addi %add3A_17, %add3A_86 : vector<16xi32>
      %gather3A_88 = tpu.vector_load_idx %arg4[%add3A_87] : memref<59392xf32, #tpu.memory_space<vmem>>[vector<16xi32>], vector<16xf32>,
      %add3A_89 = arith.constant 18 : i32
      %add3A_90 = vector.broadcast %add3A_89 : i32 to vector<16xi32>
      %add3A_91 = arith.addi %add3A_17, %add3A_90 : vector<16xi32>
      %gather3A_92 = tpu.vector_load_idx %arg4[%add3A_91] : memref<59392xf32, #tpu.memory_space<vmem>>[vector<16xi32>], vector<16xf32>,
      %add3A_93 = arith.constant 19 : i32
      %add3A_94 = vector.broadcast %add3A_93 : i32 to vector<16xi32>
      %add3A_95 = arith.addi %add3A_17, %add3A_94 : vector<16xi32>
      %gather3A_96 = tpu.vector_load_idx %arg4[%add3A_95] : memref<59392xf32, #tpu.memory_space<vmem>>[vector<16xi32>], vector<16xf32>,
      %add3A_97 = arith.constant 20 : i32
      %add3A_98 = vector.broadcast %add3A_97 : i32 to vector<16xi32>
      %add3A_99 = arith.addi %add3A_17, %add3A_98 : vector<16xi32>
      %gather3A_100 = tpu.vector_load_idx %arg4[%add3A_99] : memref<59392xf32, #tpu.memory_space<vmem>>[vector<16xi32>], vector<16xf32>,
      %add3A_101 = arith.constant 21 : i32
      %add3A_102 = vector.broadcast %add3A_101 : i32 to vector<16xi32>
      %add3A_103 = arith.addi %add3A_17, %add3A_102 : vector<16xi32>
      %gather3A_104 = tpu.vector_load_idx %arg4[%add3A_103] : memref<59392xf32, #tpu.memory_space<vmem>>[vector<16xi32>], vector<16xf32>,
      %add3A_105 = arith.constant 22 : i32
      %add3A_106 = vector.broadcast %add3A_105 : i32 to vector<16xi32>
      %add3A_107 = arith.addi %add3A_17, %add3A_106 : vector<16xi32>
      %gather3A_108 = tpu.vector_load_idx %arg4[%add3A_107] : memref<59392xf32, #tpu.memory_space<vmem>>[vector<16xi32>], vector<16xf32>,
      %add3A_109 = arith.constant 23 : i32
      %add3A_110 = vector.broadcast %add3A_109 : i32 to vector<16xi32>
      %add3A_111 = arith.addi %add3A_17, %add3A_110 : vector<16xi32>
      %gather3A_112 = tpu.vector_load_idx %arg4[%add3A_111] : memref<59392xf32, #tpu.memory_space<vmem>>[vector<16xi32>], vector<16xf32>,
      %add3A_113 = arith.constant 24 : i32
      %add3A_114 = vector.broadcast %add3A_113 : i32 to vector<16xi32>
      %add3A_115 = arith.addi %add3A_17, %add3A_114 : vector<16xi32>
      %gather3A_116 = tpu.vector_load_idx %arg4[%add3A_115] : memref<59392xf32, #tpu.memory_space<vmem>>[vector<16xi32>], vector<16xf32>,
      %add3A_117 = arith.constant 25 : i32
      %add3A_118 = vector.broadcast %add3A_117 : i32 to vector<16xi32>
      %add3A_119 = arith.addi %add3A_17, %add3A_118 : vector<16xi32>
      %gather3A_120 = tpu.vector_load_idx %arg4[%add3A_119] : memref<59392xf32, #tpu.memory_space<vmem>>[vector<16xi32>], vector<16xf32>,
      %add3A_121 = arith.constant 26 : i32
      %add3A_122 = vector.broadcast %add3A_121 : i32 to vector<16xi32>
      %add3A_123 = arith.addi %add3A_17, %add3A_122 : vector<16xi32>
      %gather3A_124 = tpu.vector_load_idx %arg4[%add3A_123] : memref<59392xf32, #tpu.memory_space<vmem>>[vector<16xi32>], vector<16xf32>,
      %add3A_125 = arith.constant 27 : i32
      %add3A_126 = vector.broadcast %add3A_125 : i32 to vector<16xi32>
      %add3A_127 = arith.addi %add3A_17, %add3A_126 : vector<16xi32>
      %gather3A_128 = tpu.vector_load_idx %arg4[%add3A_127] : memref<59392xf32, #tpu.memory_space<vmem>>[vector<16xi32>], vector<16xf32>,
      %add3A_129 = arith.constant 28 : i32
      %add3A_130 = vector.broadcast %add3A_129 : i32 to vector<16xi32>
      %add3A_131 = arith.addi %add3A_17, %add3A_130 : vector<16xi32>
      %gather3A_132 = tpu.vector_load_idx %arg4[%add3A_131] : memref<59392xf32, #tpu.memory_space<vmem>>[vector<16xi32>], vector<16xf32>,
      %max3A = arith.maximumf %gather3A, %gather3A_24 : vector<16xf32>
      %max3A_133 = arith.maximumf %gather3A_28, %gather3A_32 : vector<16xf32>
      %max3A_134 = arith.maximumf %gather3A_36, %gather3A_40 : vector<16xf32>
      %max3A_135 = arith.maximumf %gather3A_44, %gather3A_48 : vector<16xf32>
      %max3A_136 = arith.maximumf %gather3A_52, %gather3A_56 : vector<16xf32>
      %max3A_137 = arith.maximumf %gather3A_60, %gather3A_64 : vector<16xf32>
      %max3A_138 = arith.maximumf %gather3A_68, %gather3A_72 : vector<16xf32>
      %max3A_139 = arith.maximumf %gather3A_76, %gather3A_80 : vector<16xf32>
      %max3A_140 = arith.maximumf %gather3A_84, %gather3A_88 : vector<16xf32>
      %max3A_141 = arith.maximumf %gather3A_92, %gather3A_96 : vector<16xf32>
      %max3A_142 = arith.maximumf %gather3A_100, %gather3A_104 : vector<16xf32>
      %max3A_143 = arith.maximumf %gather3A_108, %gather3A_112 : vector<16xf32>
      %max3A_144 = arith.maximumf %gather3A_116, %gather3A_120 : vector<16xf32>
      %max3A_145 = arith.maximumf %gather3A_124, %gather3A_128 : vector<16xf32>
      %max3A_146 = arith.maximumf %max3A, %max3A_133 : vector<16xf32>
      %max3A_147 = arith.maximumf %max3A_134, %max3A_135 : vector<16xf32>
      %max3A_148 = arith.maximumf %max3A_136, %max3A_137 : vector<16xf32>
      %max3A_149 = arith.maximumf %max3A_138, %max3A_139 : vector<16xf32>
      %max3A_150 = arith.maximumf %max3A_140, %max3A_141 : vector<16xf32>
      %max3A_151 = arith.maximumf %max3A_142, %max3A_143 : vector<16xf32>
      %max3A_152 = arith.maximumf %max3A_144, %max3A_145 : vector<16xf32>
      %max3A_153 = arith.maximumf %max3A_146, %max3A_147 : vector<16xf32>
      %max3A_154 = arith.maximumf %max3A_148, %max3A_149 : vector<16xf32>
      %max3A_155 = arith.maximumf %max3A_150, %max3A_151 : vector<16xf32>
      %max3A_156 = arith.maximumf %max3A_152, %gather3A_132 : vector<16xf32>
      %max3A_157 = arith.maximumf %max3A_153, %max3A_154 : vector<16xf32>
      %max3A_158 = arith.maximumf %max3A_155, %max3A_156 : vector<16xf32>
      %max3A_159 = arith.maximumf %max3A_157, %max3A_158 : vector<16xf32>
      %sub3A = arith.subf %gather3A, %max3A_159 : vector<16xf32>
      %exp3A = math.exp %sub3A : vector<16xf32>
      %sub3A_160 = arith.subf %gather3A_24, %max3A_159 : vector<16xf32>
      %exp3A_161 = math.exp %sub3A_160 : vector<16xf32>
      %sub3A_162 = arith.subf %gather3A_28, %max3A_159 : vector<16xf32>
      %exp3A_163 = math.exp %sub3A_162 : vector<16xf32>
      %sub3A_164 = arith.subf %gather3A_32, %max3A_159 : vector<16xf32>
      %exp3A_165 = math.exp %sub3A_164 : vector<16xf32>
      %sub3A_166 = arith.subf %gather3A_36, %max3A_159 : vector<16xf32>
      %exp3A_167 = math.exp %sub3A_166 : vector<16xf32>
      %sub3A_168 = arith.subf %gather3A_40, %max3A_159 : vector<16xf32>
      %exp3A_169 = math.exp %sub3A_168 : vector<16xf32>
      %sub3A_170 = arith.subf %gather3A_44, %max3A_159 : vector<16xf32>
      %exp3A_171 = math.exp %sub3A_170 : vector<16xf32>
      %sub3A_172 = arith.subf %gather3A_48, %max3A_159 : vector<16xf32>
      %exp3A_173 = math.exp %sub3A_172 : vector<16xf32>
      %sub3A_174 = arith.subf %gather3A_52, %max3A_159 : vector<16xf32>
      %exp3A_175 = math.exp %sub3A_174 : vector<16xf32>
      %sub3A_176 = arith.subf %gather3A_56, %max3A_159 : vector<16xf32>
      %exp3A_177 = math.exp %sub3A_176 : vector<16xf32>
      %sub3A_178 = arith.subf %gather3A_60, %max3A_159 : vector<16xf32>
      %exp3A_179 = math.exp %sub3A_178 : vector<16xf32>
      %sub3A_180 = arith.subf %gather3A_64, %max3A_159 : vector<16xf32>
      %exp3A_181 = math.exp %sub3A_180 : vector<16xf32>
      %sub3A_182 = arith.subf %gather3A_68, %max3A_159 : vector<16xf32>
      %exp3A_183 = math.exp %sub3A_182 : vector<16xf32>
      %sub3A_184 = arith.subf %gather3A_72, %max3A_159 : vector<16xf32>
      %exp3A_185 = math.exp %sub3A_184 : vector<16xf32>
      %sub3A_186 = arith.subf %gather3A_76, %max3A_159 : vector<16xf32>
      %exp3A_187 = math.exp %sub3A_186 : vector<16xf32>
      %sub3A_188 = arith.subf %gather3A_80, %max3A_159 : vector<16xf32>
      %exp3A_189 = math.exp %sub3A_188 : vector<16xf32>
      %sub3A_190 = arith.subf %gather3A_84, %max3A_159 : vector<16xf32>
      %exp3A_191 = math.exp %sub3A_190 : vector<16xf32>
      %sub3A_192 = arith.subf %gather3A_88, %max3A_159 : vector<16xf32>
      %exp3A_193 = math.exp %sub3A_192 : vector<16xf32>
      %sub3A_194 = arith.subf %gather3A_92, %max3A_159 : vector<16xf32>
      %exp3A_195 = math.exp %sub3A_194 : vector<16xf32>
      %sub3A_196 = arith.subf %gather3A_96, %max3A_159 : vector<16xf32>
      %exp3A_197 = math.exp %sub3A_196 : vector<16xf32>
      %sub3A_198 = arith.subf %gather3A_100, %max3A_159 : vector<16xf32>
      %exp3A_199 = math.exp %sub3A_198 : vector<16xf32>
      %sub3A_200 = arith.subf %gather3A_104, %max3A_159 : vector<16xf32>
      %exp3A_201 = math.exp %sub3A_200 : vector<16xf32>
      %sub3A_202 = arith.subf %gather3A_108, %max3A_159 : vector<16xf32>
      %exp3A_203 = math.exp %sub3A_202 : vector<16xf32>
      %sub3A_204 = arith.subf %gather3A_112, %max3A_159 : vector<16xf32>
      %exp3A_205 = math.exp %sub3A_204 : vector<16xf32>
      %sub3A_206 = arith.subf %gather3A_116, %max3A_159 : vector<16xf32>
      %exp3A_207 = math.exp %sub3A_206 : vector<16xf32>
      %sub3A_208 = arith.subf %gather3A_120, %max3A_159 : vector<16xf32>
      %exp3A_209 = math.exp %sub3A_208 : vector<16xf32>
      %sub3A_210 = arith.subf %gather3A_124, %max3A_159 : vector<16xf32>
      %exp3A_211 = math.exp %sub3A_210 : vector<16xf32>
      %sub3A_212 = arith.subf %gather3A_128, %max3A_159 : vector<16xf32>
      %exp3A_213 = math.exp %sub3A_212 : vector<16xf32>
      %sub3A_214 = arith.subf %gather3A_132, %max3A_159 : vector<16xf32>
      %exp3A_215 = math.exp %sub3A_214 : vector<16xf32>
      %add3A_216 = arith.addf %exp3A, %exp3A_161 : vector<16xf32>
      %add3A_217 = arith.addf %exp3A_163, %exp3A_165 : vector<16xf32>
      %add3A_218 = arith.addf %exp3A_167, %exp3A_169 : vector<16xf32>
      %add3A_219 = arith.addf %exp3A_171, %exp3A_173 : vector<16xf32>
      %add3A_220 = arith.addf %exp3A_175, %exp3A_177 : vector<16xf32>
      %add3A_221 = arith.addf %exp3A_179, %exp3A_181 : vector<16xf32>
      %add3A_222 = arith.addf %exp3A_183, %exp3A_185 : vector<16xf32>
      %add3A_223 = arith.addf %exp3A_187, %exp3A_189 : vector<16xf32>
      %add3A_224 = arith.addf %exp3A_191, %exp3A_193 : vector<16xf32>
      %add3A_225 = arith.addf %exp3A_195, %exp3A_197 : vector<16xf32>
      %add3A_226 = arith.addf %exp3A_199, %exp3A_201 : vector<16xf32>
      %add3A_227 = arith.addf %exp3A_203, %exp3A_205 : vector<16xf32>
      %add3A_228 = arith.addf %exp3A_207, %exp3A_209 : vector<16xf32>
      %add3A_229 = arith.addf %exp3A_211, %exp3A_213 : vector<16xf32>
      %add3A_230 = arith.addf %add3A_216, %add3A_217 : vector<16xf32>
      %add3A_231 = arith.addf %add3A_218, %add3A_219 : vector<16xf32>
      %add3A_232 = arith.addf %add3A_220, %add3A_221 : vector<16xf32>
      %add3A_233 = arith.addf %add3A_222, %add3A_223 : vector<16xf32>
      %add3A_234 = arith.addf %add3A_224, %add3A_225 : vector<16xf32>
      %add3A_235 = arith.addf %add3A_226, %add3A_227 : vector<16xf32>
      %add3A_236 = arith.addf %add3A_228, %add3A_229 : vector<16xf32>
      %add3A_237 = arith.addf %add3A_230, %add3A_231 : vector<16xf32>
      %add3A_238 = arith.addf %add3A_232, %add3A_233 : vector<16xf32>
      %add3A_239 = arith.addf %add3A_234, %add3A_235 : vector<16xf32>
      %add3A_240 = arith.addf %add3A_236, %exp3A_215 : vector<16xf32>
      %add3A_241 = arith.addf %add3A_237, %add3A_238 : vector<16xf32>
      %add3A_242 = arith.addf %add3A_239, %add3A_240 : vector<16xf32>
      %add3A_243 = arith.addf %add3A_241, %add3A_242 : vector<16xf32>
      %div3A = arith.constant 1.000000e+00 : f32
      %div3A_244 = vector.broadcast %div3A : f32 to vector<16xf32>
      %div3A_245 = arith.divf %div3A_244, %add3A_243 : vector<16xf32>
      %mul3A_246 = arith.constant 7 : i32
      %mul3A_247 = vector.broadcast %mul3A_246 : i32 to vector<16xi32>
      %mul3A_248 = arith.muli %iota3A, %mul3A_247 : vector<16xi32>
      %mul3A_249 = arith.constant 112 : i32
      %mul3A_250 = arith.muli %scan3A_10, %mul3A_249 : i32
      %add3A_251 = vector.broadcast %mul3A_250 : i32 to vector<16xi32>
      %add3A_252 = arith.addi %mul3A_248, %add3A_251 : vector<16xi32>
      %add3A_253 = arith.addf %exp3A_161, %exp3A_175 : vector<16xf32>
      %add3A_254 = arith.addf %exp3A_177, %exp3A_179 : vector<16xf32>
      %add3A_255 = arith.addf %exp3A_181, %exp3A_183 : vector<16xf32>
      %add3A_256 = arith.addf %add3A_253, %add3A_254 : vector<16xf32>
      %add3A_257 = arith.addf %add3A_255, %exp3A_185 : vector<16xf32>
      %add3A_258 = arith.addf %add3A_256, %add3A_257 : vector<16xf32>
      %add3A_259 = arith.constant 0 : i32
      %add3A_260 = vector.broadcast %add3A_259 : i32 to vector<16xi32>
      %add3A_261 = arith.addi %add3A_252, %add3A_260 : vector<16xi32>
      %mul3A_262 = arith.mulf %add3A_258, %div3A_245 : vector<16xf32>
      tpu.vector_store_idx %arg5[%add3A_261], %mul3A_262 : memref<14336xf32, #tpu.memory_space<vmem>>[vector<16xi32>], vector<16xf32>,
      %add3A_263 = arith.addf %exp3A_163, %exp3A_175 : vector<16xf32>
      %add3A_264 = arith.addf %exp3A_187, %exp3A_189 : vector<16xf32>
      %add3A_265 = arith.addf %exp3A_191, %exp3A_193 : vector<16xf32>
      %add3A_266 = arith.addf %add3A_263, %add3A_264 : vector<16xf32>
      %add3A_267 = arith.addf %add3A_265, %exp3A_195 : vector<16xf32>
      %add3A_268 = arith.addf %add3A_266, %add3A_267 : vector<16xf32>
      %add3A_269 = arith.constant 1 : i32
      %add3A_270 = vector.broadcast %add3A_269 : i32 to vector<16xi32>
      %add3A_271 = arith.addi %add3A_252, %add3A_270 : vector<16xi32>
      %mul3A_272 = arith.mulf %add3A_268, %div3A_245 : vector<16xf32>
      tpu.vector_store_idx %arg5[%add3A_271], %mul3A_272 : memref<14336xf32, #tpu.memory_space<vmem>>[vector<16xi32>], vector<16xf32>,
      %add3A_273 = arith.addf %exp3A_165, %exp3A_177 : vector<16xf32>
      %add3A_274 = arith.addf %exp3A_187, %exp3A_197 : vector<16xf32>
      %add3A_275 = arith.addf %exp3A_199, %exp3A_201 : vector<16xf32>
      %add3A_276 = arith.addf %add3A_273, %add3A_274 : vector<16xf32>
      %add3A_277 = arith.addf %add3A_275, %exp3A_203 : vector<16xf32>
      %add3A_278 = arith.addf %add3A_276, %add3A_277 : vector<16xf32>
      %add3A_279 = arith.constant 2 : i32
      %add3A_280 = vector.broadcast %add3A_279 : i32 to vector<16xi32>
      %add3A_281 = arith.addi %add3A_252, %add3A_280 : vector<16xi32>
      %mul3A_282 = arith.mulf %add3A_278, %div3A_245 : vector<16xf32>
      tpu.vector_store_idx %arg5[%add3A_281], %mul3A_282 : memref<14336xf32, #tpu.memory_space<vmem>>[vector<16xi32>], vector<16xf32>,
      %add3A_283 = arith.addf %exp3A_167, %exp3A_179 : vector<16xf32>
      %add3A_284 = arith.addf %exp3A_189, %exp3A_197 : vector<16xf32>
      %add3A_285 = arith.addf %exp3A_205, %exp3A_207 : vector<16xf32>
      %add3A_286 = arith.addf %add3A_283, %add3A_284 : vector<16xf32>
      %add3A_287 = arith.addf %add3A_285, %exp3A_209 : vector<16xf32>
      %add3A_288 = arith.addf %add3A_286, %add3A_287 : vector<16xf32>
      %add3A_289 = arith.constant 3 : i32
      %add3A_290 = vector.broadcast %add3A_289 : i32 to vector<16xi32>
      %add3A_291 = arith.addi %add3A_252, %add3A_290 : vector<16xi32>
      %mul3A_292 = arith.mulf %add3A_288, %div3A_245 : vector<16xf32>
      tpu.vector_store_idx %arg5[%add3A_291], %mul3A_292 : memref<14336xf32, #tpu.memory_space<vmem>>[vector<16xi32>], vector<16xf32>,
      %add3A_293 = arith.addf %exp3A_169, %exp3A_181 : vector<16xf32>
      %add3A_294 = arith.addf %exp3A_191, %exp3A_199 : vector<16xf32>
      %add3A_295 = arith.addf %exp3A_205, %exp3A_211 : vector<16xf32>
      %add3A_296 = arith.addf %add3A_293, %add3A_294 : vector<16xf32>
      %add3A_297 = arith.addf %add3A_295, %exp3A_213 : vector<16xf32>
      %add3A_298 = arith.addf %add3A_296, %add3A_297 : vector<16xf32>
      %add3A_299 = arith.constant 4 : i32
      %add3A_300 = vector.broadcast %add3A_299 : i32 to vector<16xi32>
      %add3A_301 = arith.addi %add3A_252, %add3A_300 : vector<16xi32>
      %mul3A_302 = arith.mulf %add3A_298, %div3A_245 : vector<16xf32>
      tpu.vector_store_idx %arg5[%add3A_301], %mul3A_302 : memref<14336xf32, #tpu.memory_space<vmem>>[vector<16xi32>], vector<16xf32>,
      %add3A_303 = arith.addf %exp3A_171, %exp3A_183 : vector<16xf32>
      %add3A_304 = arith.addf %exp3A_193, %exp3A_201 : vector<16xf32>
      %add3A_305 = arith.addf %exp3A_207, %exp3A_211 : vector<16xf32>
      %add3A_306 = arith.addf %add3A_303, %add3A_304 : vector<16xf32>
      %add3A_307 = arith.addf %add3A_305, %exp3A_215 : vector<16xf32>
      %add3A_308 = arith.addf %add3A_306, %add3A_307 : vector<16xf32>
      %add3A_309 = arith.constant 5 : i32
      %add3A_310 = vector.broadcast %add3A_309 : i32 to vector<16xi32>
      %add3A_311 = arith.addi %add3A_252, %add3A_310 : vector<16xi32>
      %mul3A_312 = arith.mulf %add3A_308, %div3A_245 : vector<16xf32>
      tpu.vector_store_idx %arg5[%add3A_311], %mul3A_312 : memref<14336xf32, #tpu.memory_space<vmem>>[vector<16xi32>], vector<16xf32>,
      %add3A_313 = arith.addf %exp3A_173, %exp3A_185 : vector<16xf32>
      %add3A_314 = arith.addf %exp3A_195, %exp3A_203 : vector<16xf32>
      %add3A_315 = arith.addf %exp3A_209, %exp3A_213 : vector<16xf32>
      %add3A_316 = arith.addf %add3A_313, %add3A_314 : vector<16xf32>
      %add3A_317 = arith.addf %add3A_315, %exp3A_215 : vector<16xf32>
      %add3A_318 = arith.addf %add3A_316, %add3A_317 : vector<16xf32>
      %add3A_319 = arith.constant 6 : i32
      %add3A_320 = vector.broadcast %add3A_319 : i32 to vector<16xi32>
      %add3A_321 = arith.addi %add3A_252, %add3A_320 : vector<16xi32>
      %mul3A_322 = arith.mulf %add3A_318, %div3A_245 : vector<16xf32>
      tpu.vector_store_idx %arg5[%add3A_321], %mul3A_322 : memref<14336xf32, #tpu.memory_space<vmem>>[vector<16xi32>], vector<16xf32>,
    }
    %scan3A_7 = arith.constant 128 : i32
    %mul3A_8 = arith.constant 14336 : i32
    %mul3A_9 = arith.muli %add3A, %mul3A_8 : i32
    "tpu.region"() ({
      %run_scoped3A = tpu.sem_alloc : memref<!tpu.dma_semaphore, #tpu.memory_space<semaphore_mem>>
      %dma_start3A = tpu.memref_slice %arg3[%mul3A_9] : memref<458752xf32, #tpu.memory_space<hbm>> -> memref<14336xf32, #tpu.memory_space<hbm>>
      %dma_start3A_10 = tpu.memref_slice %arg3[%mul3A_9] : memref<458752xf32, #tpu.memory_space<hbm>> -> memref<14336xf32, #tpu.memory_space<hbm>>
      tpu.enqueue_dma source(%arg5 : memref<14336xf32, #tpu.memory_space<vmem>>) target(%dma_start3A_10 : memref<14336xf32, #tpu.memory_space<hbm>>) target_semaphore(%run_scoped3A : memref<!tpu.dma_semaphore, #tpu.memory_space<semaphore_mem>>)
      %dma_wait3A = tpu.memref_slice %arg3[%mul3A_9] : memref<458752xf32, #tpu.memory_space<hbm>> -> memref<14336xf32, #tpu.memory_space<hbm>>
      %dma_wait3A_11 = tpu.memref_slice %arg3[%mul3A_9] : memref<458752xf32, #tpu.memory_space<hbm>> -> memref<14336xf32, #tpu.memory_space<hbm>>
      tpu.wait_dma2 semaphore(%run_scoped3A : memref<!tpu.dma_semaphore, #tpu.memory_space<semaphore_mem>>) src(%arg5 : memref<14336xf32, #tpu.memory_space<vmem>>) dst(%dma_wait3A_11 : memref<14336xf32, #tpu.memory_space<hbm>>)
      tpu.yield
    }) : () -> ()
    return
  }
}

</mosaic_0001>

<sc_bundles>
// kernel: kernel.3.cloned.1.call-start
scs
__scs_entry_jumppad:
0x0: {  	(pc) =	sbr.rel $0x88, $3  }
0x1: {  	(tag) =	ssettag $0x0;
	lr =	simm.s32 $0x1  }
0x2: {  	[smem:$0x3FA0] =	sst lr;
	_ =	strace $0xD0000000  }
0x3: {  	_ = 	snop  }
0x4: {  	_ = 	snop  }
0x5: {  	_ = 	snop  }
0x6: {  	_ = 	snop  }
0x7: {  	_ = 	snop  }
__scs_overlays_trampoline_lowered:
0x8: {  	[smem:$0x3FAF] =	sst s0  }
0x9: {  	[smem:$0x3FB0] =	sst s1  }
0xa: {  	[smem:$0x3FB1] =	sst s2  }
0xb: {  	[smem:$0x3FB2] =	sst s3  }
0xc: {  	[smem:$0x3FB3] =	sst s4  }
0xd: {  	[smem:$0x3FB4] =	sst s5  }
0xe: {  	[smem:$0x3FB5] =	sst s6  }
0xf: {  	[smem:$0x3FB6] =	sst s7  }
0x10: {  	[smem:$0x3FB7] =	sst s8  }
0x11: {  	[smem:$0x3FB8] =	sst s9;
	s0 =	simm.s32 @!p0 $0x0  }
0x12: {  	s1 =	sld [smem:$0x3F9E];
	s0 =	simm.s32 @p0 $0x1  }
0x13: {  	[smem:$0x3FB9] =	sst s0;
	s0 =	simm.s32 @!p1 $0x0  }
0x14: {  	s2 =	sld [smem:$0x3F9D];
	s0 =	simm.s32 @p1 $0x1  }
0x15: {  	[smem:$0x3FBA] =	sst s0;
	s0 =	simm.s32 @!p2 $0x0  }
0x16: {  	s3 =	sld [smem:$0x3FDB];
	s0 =	simm.s32 @p2 $0x1  }
0x17: {  	s4 =	simm.s32 $0x1BF5;
	[smem:$0x3FBC] =	sst s0  }
0x18: {  	s0 =	sld [smem:$0x3F9F];
	_ =	swait.ge [sflag:s4], $0x0  }
0x19: {  	s7 =	sld [smem:$0x3FA0]  }
0x1a: {  	s8 =	sadd.s32 $0xFFFFE003, lr  }
0x1b: {  	s9 =	sadd.s32 $0xFFFFFEF7, lr;
	s5 =	simm.s32 $0xFFFFFFFF;
	p2 =	slt.u32 s8, $0xFFFFF086  }
0x1c: {  	p1 =	slt.u32 s9, $0xF7A;
	s5 =	simm.s32 @!p2 $0x0  }
0x1d: {  	s5 =	simm.s32 @p1 $0x1;
	p0 =	seq.s32 s7, s2  }
0x1e: {  	s7 =	smul.u32 @!p0 $0xF7A, s2;
	p2 =	seq.s32 @!p0 s5, $0x0  }
0x1f: {  	s9 =	smul.u32 $0xF7A, s1;
	s8 =	simm.s32 @!p0 $0x1BF5;
	p2 =	por !p2, p0  }
0x20: {  	[sflag:s8] =	ssyncset.s32 @!p0 $0xFFFFF086;
	s6 =	sadd.s32 @!p0 s3, s7;
	s7 =	simm.s32 @!p0 $0x108  }
0x21: {  	s3 =	sadd.s32 s3, s9;
	s6 =	sadd.s32 @!p0 $0x88, s6;
	s7 =	simm.s32 @p2 $0x1082  }
0x22: {  	[simem:s7], [sflag:s8] =	dma.local @!p0 [hbm:s6], $0xF7A  }
0x23: {  	s9 =	sor.u32 $0xD0000000, s2;
	s6 =	simm.s32 $0x108;
	_ =	swait.ge @!p0 [sflag:s8], $0x0  }
0x24: {  	s3 =	sadd.s32 $0x88, s3;
	s6 =	simm.s32 @!p1 $0x1082;
	[sflag:s4] =	ssyncset.s32 $0xFFFFF086  }
0x25: {  	[simem:s6], [sflag:s4] =	dma.local [hbm:s3], $0xF7A  }
0x26: {  	[smem:$0x3FA0] =	sst s1;
	(tag) =	ssettag s2;
	_ =	strace s9  }
0x27: {  	s1 =	sld [smem:$0x3FB0]  }
0x28: {  	s2 =	sld [smem:$0x3FB1]  }
0x29: {  	s4 =	sld [smem:$0x3FB3]  }
0x2a: {  	p0 =	seq.s32 s5, $0x0;
	s5 =	sld [smem:$0x3FB4]  }
0x2b: {  	s6 =	sld [smem:$0x3FB5]  }
0x2c: {  	s7 =	sld [smem:$0x3FB6]  }
0x2d: {  	s3 =	simm.s32 $0x108;
	s8 =	sld [smem:$0x3FB7]  }
0x2e: {  	s3 =	simm.s32 @!p0 $0x1082;
	s9 =	sld [smem:$0x3FB8]  }
0x2f: {  	lr =	sadd.s32 s0, s3;
	s0 =	sld [smem:$0x3FAF]  }
0x30: {  	s3 =	sld [smem:$0x3FB2]  }
0x31: {  	[smem:$0x3FBB] =	sst s10  }
0x32: {  	s10 =	sld [smem:$0x3FB9];
	_ =	sdelay $0x3  }
0x33: {  	p0 =	seq.s32 s10, $0x1;
	s10 =	sld [smem:$0x3FBB];
	_ =	sdelay $0x3  }
0x34: {  	[smem:$0x3FBB] =	sst s10  }
0x35: {  	s10 =	sld [smem:$0x3FBA];
	_ =	sdelay $0x3  }
0x36: {  	p1 =	seq.s32 s10, $0x1;
	s10 =	sld [smem:$0x3FBB];
	_ =	sdelay $0x3  }
0x37: {  	[smem:$0x3FBB] =	sst s10  }
0x38: {  	s10 =	sld [smem:$0x3FBC]  }
0x39: {  	_ = 	snop;
	(pc) =	sbr.ind lr, $3  }
0x3a: {  	_ = 	snop  }
0x3b: {  	_ = 	snop  }
0x3c: {  	p2 =	seq.s32 s10, $0x1;
	s10 =	sld [smem:$0x3FBB]  }
0x3d: {  	_ =	shalt  }
0x3e: {  	_ =	shalt  }
0x3f: {  	_ =	shalt  }
0x40: {  	_ =	shalt  }
0x41: {  	_ =	shalt  }
0x42: {  	_ =	shalt  }
0x43: {  	_ =	shalt  }
0x44: {  	_ =	shalt  }
0x45: {  	_ =	shalt  }
0x46: {  	_ =	shalt  }
0x47: {  	_ =	shalt  }
0x48: {  	_ =	shalt  }
0x49: {  	_ =	shalt  }
0x4a: {  	_ =	shalt  }
0x4b: {  	_ =	shalt  }
0x4c: {  	_ =	shalt  }
0x4d: {  	_ =	shalt  }
0x4e: {  	_ =	shalt  }
0x4f: {  	_ =	shalt  }
0x50: {  	_ =	shalt  }
0x51: {  	_ =	shalt  }
0x52: {  	_ =	shalt  }
0x53: {  	_ =	shalt  }
0x54: {  	_ =	shalt  }
0x55: {  	_ =	shalt  }
0x56: {  	_ =	shalt  }
0x57: {  	_ =	shalt  }
0x58: {  	_ =	shalt  }
0x59: {  	_ =	shalt  }
0x5a: {  	_ =	shalt  }
0x5b: {  	_ =	shalt  }
0x5c: {  	_ =	shalt  }
0x5d: {  	_ =	shalt  }
0x5e: {  	_ =	shalt  }
0x5f: {  	_ =	shalt  }
0x60: {  	_ =	shalt  }
0x61: {  	_ =	shalt  }
0x62: {  	_ =	shalt  }
0x63: {  	_ =	shalt  }
0x64: {  	_ =	shalt  }
0x65: {  	_ =	shalt  }
0x66: {  	_ =	shalt  }
0x67: {  	_ =	shalt  }
0x68: {  	_ =	shalt  }
0x69: {  	_ =	shalt  }
0x6a: {  	_ =	shalt  }
0x6b: {  	_ =	shalt  }
0x6c: {  	_ =	shalt  }
0x6d: {  	_ =	shalt  }
0x6e: {  	_ =	shalt  }
0x6f: {  	_ =	shalt  }
0x70: {  	_ =	shalt  }
0x71: {  	_ =	shalt  }
0x72: {  	_ =	shalt  }
0x73: {  	_ =	shalt  }
0x74: {  	_ =	shalt  }
0x75: {  	_ =	shalt  }
0x76: {  	_ =	shalt  }
0x77: {  	_ =	shalt  }
0x78: {  	_ =	shalt  }
0x79: {  	_ =	shalt  }
0x7a: {  	_ =	shalt  }
0x7b: {  	_ =	shalt  }
0x7c: {  	_ =	shalt  }
0x7d: {  	_ =	shalt  }
0x7e: {  	_ =	shalt  }
0x7f: {  	_ =	shalt  }
0x80: {  	_ =	shalt  }
0x81: {  	_ =	shalt  }
0x82: {  	_ =	shalt  }
0x83: {  	_ =	shalt  }
0x84: {  	_ =	shalt  }
0x85: {  	_ =	shalt  }
0x86: {  	_ =	shalt  }
0x87: {  	_ =	shalt  }
.Lfunc_end0:
.L_simem_size_0:
called_computation_lowered:
.L_overlay_start_0:
0x88: {  	s2 =	sld [smem:$0x3FD9]  }
0x89: {  	s3 =	sld [smem:$0x3FFE];
	_ =	sdelay $0x1  }
0x8a: {  	s1 =	srdreg.scid  }
0x8b: {  	s0 =	sand.u32 $0x1, s1  }
0x8c: {  	s17 =	sshll.u32 s0, $0xA;
	s2 =	sadd.s32 s3, s2  }
0x8d: {  	s2 =	sadd.s32 s2, s17  }
0x8e: {  	[smem:$0x3FC7] =	sst s2  }
0x8f: {  	_ = 	snop  }
0x90: {  	s2 =	sld [smem:$0x3FD0];
	(tm) =	ssettm $0x1  }
0x91: {  	s18 =	sld [smem:$0x3FFB];
	_ =	sdelay $0x3  }
0x92: {  	_ =	strace s18  }
0x93: {  	s3 =	sld [smem:$0x3FFC];
	_ =	sdelay $0x3  }
0x94: {  	_ =	strace s3  }
0x95: {  	s3 =	sld [smem:$0x3FFD];
	_ =	sdelay $0x3  }
0x96: {  	_ =	strace s3  }
0x97: {  	_ =	strace $0x8FFFFFFF  }
0x98: {  	s19 =	sld [smem:$0x3FDB];
	_ =	sdelay $0x1  }
0x99: {  	s4 =	simm.s32 $_scs_section_size  }
0x9a: {  	s5 =	simm.s32 $_size__tile_overlayer_lowered;
	s6 =	simm.s32 $_tile_overlayer_lowered  }
0x9b: {  	s22 =	simm.s32 $0x1BFF;
	s21 =	sshll.u32 s6, $0x1;
	s3 =	sadd.s32 s4, s19  }
0x9c: {  	s7 =	simm.s32 $0x0;
	s20 =	sshll.u32 s5, $0x1;
	s5 =	sadd.s32 s21, s3  }
0x9d: {  	[timem:s7], [sflag:s22] =	dma.local [hbm:s5], s20  }
0x9e: {  	_ =	swait.ge [sflag:s22], s20  }
0x9f: {  	s4 =	ssub.s32 $0x0, s20;
	[sflag:s22] =	ssyncset.done $0x0  }
0xa0: {  	[sflag:s22] =	ssyncadd.s32 s4;
	_ =	sdelay $0x1  }
0xa1: {  	s23 =	simm.s32 $0x1B8B  }
0xa2: {  	_ =	swait.ge [sflag:s23], $0x1  }
0xa3: {  	[sflag:s23] =	ssyncset.done $0x0  }
0xa4: {  	s25 =	simm.s32 $0x1B8E;
	s24 =	sld [smem:$0x3FFE];
	[sflag:s23] =	ssyncadd.s32 $0xFFFFFFFF  }
0xa5: {  	s26 =	simm.s32 $execute0_lowered;
	[smem:$0x3FD2] =	sst s25  }
0xa6: {  	s5 =	sshll.u32 s26, $0x1;
	_ =	strace $0x80000046;
	[dreg:$0x1] =	wrdreg $0xFFFFFFFF  }
0xa7: {  	s28 =	simm.s32 $_size_execute0_lowered;
	s3 =	sadd.s32 s3, s5;
	[dreg:$0x0] =	wrdreg $0x0  }
0xa8: {  	s5 =	sshll.u32 s28, $0x1;
	[dreg:$0x2] =	wrdreg s3  }
0xa9: {  	[dreg:$0x3] =	wrdreg s5  }
0xaa: {  	[dreg:$0x4] =	wrdreg $0xC0  }
0xab: {  	_ =	task [dreg:s7], $0x5FFFF  }
0xac: {  	[dreg:$0x1] =	wrdreg $0xFFFFFFFF  }
0xad: {  	[dreg:$0x0] =	wrdreg $0x60  }
0xae: {  	[dreg:$0x2] =	wrdreg s24  }
0xaf: {  	[dreg:$0x3] =	wrdreg s2  }
0xb0: {  	[dreg:$0x4] =	wrdreg $0x9  }
0xb1: {  	_ =	task.clear_ibuf [dreg:s7], $0x5FFFF;
	_ =	strace $0x90000046  }
0xb2: {  	s29 =	simm.s32 $0x9;
	_ =	strace $0x80000048  }
0xb3: {  	_ =	swait.ge [sflag:s29], $0x1  }
0xb4: {  	[sflag:s29] =	ssyncadd.s32 $0xFFFFFFFF  }
0xb5: {  	_ =	strace $0x90000048  }
0xb6: {  	_ =	sfence  }
0xb7: {  	s30 =	sld [smem:$0x0];
	_ =	sdelay $0x2  }
0xb8: {  	s31 =	sshll.u32 s1, $0xD;
	s1 =	sshrl.u32 s1, $0x2  }
0xb9: {  	s3 =	sand.u32 $0x4000, s31;
	s1 =	sadd.s32 s1, s30  }
0xba: {  	s0 =	sor.u32 s3, s0;
	s1 =	sshll.u32 s1, $0x11  }
0xbb: {  	s0 =	sor.u32 s1, s0  }
0xbc: {  	s0 =	sadd.s32 $0x8F2B, s0  }
0xbd: {  	[sflag:s0] =	ssyncadd.remote.s32 $0x1  }
0xbe: {  	_ =	sfence.sel $0xFFFF  }
0xbf: {  	[dreg:$0x0] =	wrdreg $0xFFFFFFFF;
	(pc) =	sbr.abs _section_cstart, $3  }
0xc0: {  	[dreg:$0x1] =	wrdreg $0xFFFFFFFF  }
0xc1: {  	_ =	task.clear_ibuf [dreg:s7], $0x2FFFF;
	_ =	strace $0x9FFFFFFF  }
0xc2: {  	(tm) =	ssettm $0x7FFFFFFF  }
0xc3: {  	_ =	shalt  }
tec
execute0_lowered:
.L_overlay_start_1:
0x0: {  	(tag) =	ssettag $0x1  }
0x1: {  	v26 =	vlaneseq.u32  }
0x2: {  	s1 =	srdreg.scid;
	s0 =	stileid.u32;
	v10 =	vmul.u32 $0x1D, v26  }
0x3: {  	s3 =	rddreg [dreg:$0x0];
	s5 =	sand.u32 $0x1, s1;
	s2 =	sshll.u32 s0, $0x1;
	v1 =	vmul.u32 $0x7, v26  }
0x4: {  	s4 =	rddreg [dreg:$0x1];
	s6 =	sor.u32 s5, s2;
	s2 =	simm.s32 $0x0;
	v11 =	vadd.s32 $0x1, v10  }
0x5: {  	v12 =	vadd.s32 $0x2, v10;
	v13 =	vadd.s32 $0x3, v10;
	[smem:$0x7FF] =	sst s2;
	v9 =	vadd.s32 $0x5, v1  }
0x6: {  	s1 =	rddreg [dreg:$0x2];
	v14 =	vadd.s32 $0x4, v10;
	v15 =	vadd.s32 $0x5, v10;
	v26 =	vadd.s32 $0x6, v1;
	_ =	strace $0x80000047;
	[tilespmem:$0x1FF60] =	vst v9  }
0x7: {  	v16 =	vadd.s32 $0x6, v10;
	v17 =	vadd.s32 $0x7, v10;
	v8 =	vadd.s32 $0x4, v1;
	[tilespmem:$0x1FF70] =	vst v26  }
0x8: {  	v18 =	vadd.s32 $0x8, v10;
	v19 =	vadd.s32 $0x9, v10;
	v6 =	vadd.s32 $0x2, v1;
	[tilespmem:$0x1FF80] =	vst v8  }
0x9: {  	v20 =	vadd.s32 $0xA, v10;
	v21 =	vadd.s32 $0xB, v10;
	v7 =	vadd.s32 $0x3, v1;
	[tilespmem:$0x1FF90] =	vst v6  }
0xa: {  	v22 =	vadd.s32 $0xC, v10;
	v23 =	vadd.s32 $0xD, v10;
	v5 =	vadd.s32 $0x1, v1;
	[tilespmem:$0x1FFA0] =	vst v7  }
0xb: {  	s5 =	ssub.s32 $0x2, s5;
	v24 =	vadd.s32 $0xE, v10;
	v25 =	vadd.s32 $0xF, v10;
	v27 =	vadd.s32 $0x11, v10;
	s7 =	smul.u32 $0x1D00, s6;
	[tilespmem:$0x1FFB0] =	vst v5  }
0xc: {  	v28 =	vadd.s32 $0x12, v10;
	v29 =	vadd.s32 $0x13, v10;
	s8 =	sshrl.u32 s5, $0x1;
	s6 =	smul.u32 $0x700, s6;
	v3 =	vadd.s32 $0x1B, v10;
	[tilespmem:$0x1FFC0] =	vst v1  }
0xd: {  	v30 =	vadd.s32 $0x14, v10;
	v31 =	vadd.s32 $0x15, v10;
	v2 =	vadd.s32 $0x1A, v10;
	s5 =	ssub.s32 s5, s8;
	s8 =	simm.s32 $0x0;
	[tilespmem:$0x1FFD0] =	vst v3  }
0xe: {  	v32 =	vadd.s32 $0x16, v10;
	v33 =	vadd.s32 $0x17, v10;
	v4 =	vadd.s32 $0x1C, v10;
	[tilespmem:$0x1FFE0] =	vst v2;
	s3 =	sadd.s32 s7, s3;
	s4 =	sadd.s32 s4, s6;
	s5 =	smax.u32 s5, $0x1  }
0xf: {  	v0 =	vadd.s32 $0x10, v10;
	v34 =	vadd.s32 $0x18, v10;
	v35 =	vadd.s32 $0x19, v10;
	[tilespmem:$0x1FFF0] =	vst v4;
	s6 =	simm.s32 $0x1;
	s7 =	simm.s32 $0xE800;
	s3 =	sadd.s32 $0x100400, s3  }
.LBB2_1:
0x10: {  	v36 =	vadd.s32 s2, v3  }
0x11: {  	[tilespmem:s2], [sflag:$0x1] =	stream.linear.gather [hbm4b:s3+s2], $0xE800, $0x38;
	v37 =	vadd.s32 s2, v2;
	[tilespmem:$0x12000] =	vst v63  }
0x12: {  	v40 =	vadd.s32 s2, v35;
	_ =	swait.ge [sflag:s6], $0xE800  }
0x13: {  	v41 =	vadd.s32 s2, v34;
	[sflag:s6] =	ssyncset.done $0x0  }
0x14: {  	v42 =	vadd.s32 s2, v33;
	[sflag:s6] =	ssyncadd.s32 $0xFFFF1800  }
0x15: {  	v43 =	vadd.s32 s2, v32;
	v1 =	vld.idx.msk [tilespmem:v36+s2+$0x0], $0xffff  }
0x16: {  	v62 =	vadd.s32 s2, v31;
	v2 =	vld.idx.msk [tilespmem:v37+s2+$0x0], $0xffff  }
0x17: {  	v44 =	vadd.s32 s2, v30;
	v3 =	vld.idx.msk [tilespmem:v40+s2+$0x0], $0xffff  }
0x18: {  	v63 =	vadd.s32 s2, v29;
	v5 =	vld.idx.msk [tilespmem:v41+s2+$0x0], $0xffff  }
0x19: {  	v45 =	vadd.s32 s2, v28;
	v6 =	vld.idx.msk [tilespmem:v42+s2+$0x0], $0xffff  }
0x1a: {  	v46 =	vadd.s32 s2, v27;
	v7 =	vld.idx.msk [tilespmem:v43+s2+$0x0], $0xffff  }
0x1b: {  	v47 =	vadd.s32 s2, v0;
	v8 =	vld.idx.msk [tilespmem:v62+s2+$0x0], $0xffff  }
0x1c: {  	v49 =	vadd.s32 s2, v10;
	v9 =	vld.idx.msk [tilespmem:v44+s2+$0x0], $0xffff  }
0x1d: {  	v50 =	vadd.s32 s2, v23;
	v26 =	vld.idx.msk [tilespmem:v63+s2+$0x0], $0xffff  }
0x1e: {  	v51 =	vadd.s32 s2, v24;
	v45 =	vld.idx.msk [tilespmem:v45+s2+$0x0], $0xffff  }
0x1f: {  	v52 =	vadd.s32 s2, v22;
	v46 =	vld.idx.msk [tilespmem:v46+s2+$0x0], $0xffff  }
0x20: {  	v53 =	vadd.s32 s2, v20;
	v47 =	vld.idx.msk [tilespmem:v47+s2+$0x0], $0xffff  }
0x21: {  	v54 =	vadd.s32 s2, v21;
	v49 =	vld.idx.msk [tilespmem:v49+s2+$0x0], $0xffff  }
0x22: {  	v55 =	vadd.s32 s2, v17;
	v50 =	vld.idx.msk [tilespmem:v50+s2+$0x0], $0xffff  }
0x23: {  	v56 =	vadd.s32 s2, v19;
	v51 =	vld.idx.msk [tilespmem:v51+s2+$0x0], $0xffff  }
0x24: {  	v57 =	vadd.s32 s2, v16;
	v52 =	vld.idx.msk [tilespmem:v52+s2+$0x0], $0xffff  }
0x25: {  	v58 =	vadd.s32 s2, v15;
	v53 =	vld.idx.msk [tilespmem:v53+s2+$0x0], $0xffff  }
0x26: {  	v59 =	vadd.s32 s2, v14;
	v54 =	vld.idx.msk [tilespmem:v54+s2+$0x0], $0xffff  }
0x27: {  	v60 =	vadd.s32 s2, v13;
	v55 =	vld.idx.msk [tilespmem:v55+s2+$0x0], $0xffff  }
0x28: {  	v61 =	vadd.s32 s2, v11;
	v56 =	vld.idx.msk [tilespmem:v56+s2+$0x0], $0xffff  }
0x29: {  	v42 =	vadd.s32 s2, v25;
	v57 =	vld.idx.msk [tilespmem:v57+s2+$0x0], $0xffff  }
0x2a: {  	v62 =	vadd.s32 s2, v12;
	v58 =	vld.idx.msk [tilespmem:v58+s2+$0x0], $0xffff  }
0x2b: {  	v63 =	vadd.s32 s2, v18;
	v59 =	vld.idx.msk [tilespmem:v59+s2+$0x0], $0xffff  }
0x2c: {  	v60 =	vld.idx.msk [tilespmem:v60+s2+$0x0], $0xffff  }
0x2d: {  	v40 =	vadd.s32 s2, v4;
	v61 =	vld.idx.msk [tilespmem:v61+s2+$0x0], $0xffff  }
0x2e: {  	v44 =	vld.idx.msk [tilespmem:v42+s2+$0x0], $0xffff  }
0x2f: {  	v39 =	vmax.f32 v2, v1;
	v62 =	vld.idx.msk [tilespmem:v62+s2+$0x0], $0xffff  }
0x30: {  	v43 =	vmax.f32 v5, v3;
	v38 =	vmax.f32 v9, v8;
	v37 =	vmax.f32 v7, v6;
	v63 =	vld.idx.msk [tilespmem:v63+s2+$0x0], $0xffff  }
0x31: {  	v48 =	vmax.f32 v45, v26;
	v4 =	vmax.f32 v47, v46;
	v36 =	vmax.f32 v59, v58  }
0x32: {  	v43 =	vmax.f32 v43, v39;
	v42 =	vmax.f32 v38, v37;
	v41 =	vmax.f32 v4, v48;
	v4 =	vld.idx.msk [tilespmem:v40+s2+$0x0], $0xffff  }
0x33: {  	v39 =	vmax.f32 v52, v50;
	v40 =	vmax.f32 v53, v54;
	v48 =	vmax.f32 v57, v55  }
0x34: {  	v38 =	vmax.f32 v36, v48;
	v48 =	vmax.f32 v49, v61;
	v36 =	vmax.f32 v62, v60  }
0x35: {  	v37 =	vmax.f32 v63, v56;
	v36 =	vmax.f32 v48, v36;
	v48 =	vmax.f32 v51, v44  }
0x36: {  	v37 =	vmax.f32 v37, v40;
	v39 =	vmax.f32 v39, v48;
	v36 =	vmax.f32 v36, v38  }
0x37: {  	v48 =	vmax.f32 v41, v42;
	v42 =	vmax.f32 v43, v4;
	v37 =	vmax.f32 v37, v39  }
0x38: {  	v43 =	vmax.f32 v48, v42;
	v36 =	vmax.f32 v36, v37  }
0x39: {  	v38 =	vmax.f32 v36, v43  }
0x3a: {  	v36 =	vsub.f32 v50, v38;
	v37 =	vsub.f32 v49, v38  }
0x3b: {  	v48 =	vsub.f32 v57, v38;
	v49 =	vsub.f32 v63, v38  }
0x3c: {  	v50 =	vsub.f32 v59, v38;
	v59 =	vsub.f32 v62, v38  }
0x3d: {  	v62 =	vsub.f32 v58, v38;
	v63 =	vsub.f32 v56, v38  }
0x3e: {  	v56 =	vsub.f32 v52, v38;
	v58 =	vsub.f32 v61, v38;
	v36 =	vmul.f32 $1.442695020e+00, v36  }
0x3f: {  	v61 =	vsub.f32 v45, v38;
	v37 =	vmul.f32 $1.442695020e+00, v37;
	v39 =	vmul.f32 $1.442695020e+00, v48  }
0x40: {  	v57 =	vmul.f32 $1.442695020e+00, v49;
	v43 =	vmul.f32 $1.442695020e+00, v56  }
0x41: {  	v49 =	vmul.f32 $1.442695020e+00, v58;
	v56 =	vmul.f32 $1.442695020e+00, v61  }
0x42: {  	(erf) = vpow2.f32 v36;
	v36 =	vmul.f32 $1.442695020e+00, v50  }
0x43: {  	v50 =	vsub.f32 v53, v38;
	v53 =	vsub.f32 v54, v38;
	(erf) = vpow2.f32 v37  }
0x44: {  	v54 =	vsub.f32 v60, v38;
	v37 =	vmul.f32 $1.442695020e+00, v59;
	(erf) = vpow2.f32 v39  }
0x45: {  	v40 =	vmul.f32 $1.442695020e+00, v50;
	v41 =	vmul.f32 $1.442695020e+00, v53  }
0x46: {  	v42 =	vmul.f32 $1.442695020e+00, v54;
	(erf) = vpow2.f32 v57  }
0x47: {  	v60 =	vsub.f32 v47, v38;
	(erf) = vpow2.f32 v36;
	v36 =	vmul.f32 $1.442695020e+00, v62  }
0x48: {  	v39 =	vmul.f32 $1.442695020e+00, v63;
	v57 =	vsub.f32 v51, v38;
	(erf) = vpow2.f32 v41  }
0x49: {  	v59 =	vsub.f32 v55, v38;
	v52 =	vmul.f32 $1.442695020e+00, v60;
	(erf) = vpow2.f32 v36  }
0x4a: {  	v46 =	vsub.f32 v46, v38;
	v48 =	vmul.f32 $1.442695020e+00, v57;
	(erf) = vpow2.f32 v43  }
0x4b: {  	v63 =	vsub.f32 v9, v38;
	v51 =	vmul.f32 $1.442695020e+00, v59;
	(erf) = vpow2.f32 v42  }
0x4c: {  	v44 =	vsub.f32 v44, v38;
	v62 =	vmul.f32 $1.442695020e+00, v46;
	v36 =	vpop (erf);
	(erf) = vpow2.f32 v48  }
0x4d: {  	v45 =	vmul.f32 $1.442695020e+00, v63;
	v57 =	vsub.f32 v7, v38;
	v47 =	vpop (erf);
	(erf) = vpow2.f32 v40  }
0x4e: {  	v59 =	vsub.f32 v6, v38;
	v41 =	vmul.f32 $1.442695020e+00, v44;
	v40 =	vpop (erf);
	(erf) = vpow2.f32 v62  }
0x4f: {  	v58 =	vsub.f32 v8, v38;
	v44 =	vmul.f32 $1.442695020e+00, v57;
	v43 =	vpop (erf);
	(erf) = vpow2.f32 v56  }
0x50: {  	v63 =	vsub.f32 v2, v38;
	v6 =	vmul.f32 $1.442695020e+00, v59;
	v55 =	vpop (erf);
	(erf) = vpow2.f32 v37  }
0x51: {  	v7 =	vsub.f32 v3, v38;
	v42 =	vmul.f32 $1.442695020e+00, v58;
	v60 =	vpop (erf);
	(erf) = vpow2.f32 v45  }
0x52: {  	v5 =	vsub.f32 v5, v38;
	v2 =	vmul.f32 $1.442695020e+00, v63;
	v61 =	vpop (erf);
	(erf) = vpow2.f32 v44  }
0x53: {  	v46 =	vsub.f32 v26, v38;
	v3 =	vmul.f32 $1.442695020e+00, v7;
	v44 =	vpop (erf);
	(erf) = vpow2.f32 v42  }
0x54: {  	v1 =	vsub.f32 v1, v38;
	v62 =	vmul.f32 $1.442695020e+00, v5;
	v53 =	vpop (erf);
	(erf) = vpow2.f32 v49  }
0x55: {  	v58 =	vmul.f32 $1.442695020e+00, v46;
	v5 =	vsub.f32 v4, v38;
	v48 =	vpop (erf);
	(erf) = vpow2.f32 v6  }
0x56: {  	v26 =	vmov v0;
	v46 =	vmul.f32 $1.442695020e+00, v1;
	v56 =	vpop (erf);
	(erf) = vpow2.f32 v62  }
0x57: {  	v59 =	vmul.f32 $1.442695020e+00, v5;
	v45 =	vadd.f32 v61, v55;
	(erf) = vpow2.f32 v39;
	v38 =	vpop (erf)  }
0x58: {  	v37 =	vadd.f32 v60, v61;
	v54 =	vadd.f32 v36, v44;
	v50 =	vpop (erf);
	(erf) = vpow2.f32 v2  }
0x59: {  	v6 =	vadd.f32 v44, v60;
	v57 =	vadd.f32 v60, v56;
	v7 =	vpop (erf);
	(erf) = vpow2.f32 v41  }
0x5a: {  	v42 =	vadd.f32 v56, v55;
	v39 =	vadd.f32 v44, v40;
	(erf) = vpow2.f32 v51;
	v55 =	vpop (erf)  }
0x5b: {  	v60 =	vadd.f32 v53, v7;
	v51 =	vadd.f32 v43, v7;
	v49 =	vpop (erf);
	(erf) = vpow2.f32 v46  }
0x5c: {  	s10 =	simm.s32 $0x1D0;
	s11 =	simm.s32 $0x0;
	s9 =	simm.s32 $0x0;
	v46 =	vadd.f32 v6, v36;
	v41 =	vadd.f32 v49, v50;
	(erf) = vpow2.f32 v3;
	v44 =	vpop (erf)  }
.LBB2_2:
0x5d: {  	v61 =	vpop (erf);
	(erf) = vpow2.f32 v52  }
0x5e: {  	(erf) = vpow2.f32 v58;
	v58 =	vpop (erf)  }
0x5f: {  	v52 =	vadd.f32 v44, v55;
	v63 =	vpop (erf)  }
0x60: {  	v47 =	vadd.f32 v61, v47;
	v61 =	vadd.f32 v43, v61;
	v6 =	vpop (erf)  }
0x61: {  	v62 =	vadd.f32 v58, v49;
	v7 =	vadd.f32 v6, v43;
	v0 =	vpop (erf)  }
0x62: {  	v47 =	vadd.f32 v60, v47;
	v56 =	vadd.f32 v56, v6;
	(erf) = vpow2.f32 v59;
	v60 =	vpop (erf)  }
0x63: {  	v8 =	vld [tilespmem:$0x1FFC0];
	v53 =	vadd.f32 v6, v53;
	v43 =	vadd.f32 v57, v7;
	v57 =	vpop (erf)  }
0x64: {  	v62 =	vadd.f32 v62, v52;
	v56 =	vadd.f32 v56, v61;
	v61 =	vpop (erf)  }
0x65: {  	v1 =	vadd.f32 v60, v48;
	v36 =	vadd.f32 v36, v57;
	v2 =	vpop (erf)  }
0x66: {  	v40 =	vadd.f32 v57, v40;
	v4 =	vadd.f32 v61, v0;
	v5 =	vpop (erf)  }
0x67: {  	v3 =	vadd.f32 v2, v63;
	v57 =	vadd.f32 v38, v5  }
0x68: {  	v6 =	vpop (erf);
	v5 =	vadd.f32 v55, v5;
	v55 =	vadd.f32 v46, v56;
	v56 =	vadd.s32 s9, v8;
	v8 =	vld [tilespmem:$0x1FFA0]  }
0x69: {  	v54 =	vadd.f32 v1, v54;
	v7 =	vadd.f32 v6, v50  }
0x6a: {  	v40 =	vadd.f32 v40, v45;
	v3 =	vadd.f32 v4, v3  }
0x6b: {  	v54 =	vadd.f32 v54, v43;
	v45 =	vadd.f32 v7, v57;
	v43 =	vpop (erf)  }
0x6c: {  	v40 =	vadd.f32 v40, v47;
	v3 =	vadd.f32 v3, v43  }
0x6d: {  	v4 =	vadd.f32 v62, v45;
	v62 =	vadd.f32 v57, v50;
	v57 =	vadd.s32 s9, v8;
	v8 =	vld [tilespmem:$0x1FF80];
	_ =	sdelay $0x1  }
0x6e: {  	v7 =	vadd.f32 v54, v40;
	v3 =	vadd.f32 v3, v4;
	_ =	sdelay $0x1  }
0x6f: {  	v3 =	vadd.f32 v3, v7  }
0x70: {  	v59 =	vadd.f32 v0, v58;
	v50 =	vadd.f32 v63, v58;
	v58 =	vadd.s32 s9, v8;
	v8 =	vld [tilespmem:$0x1FFB0]  }
0x71: {  	(erf) = vrcp.f32 v3;
	_ =	sdelay $0x1  }
0x72: {  	v1 =	vadd.f32 v1, v51;
	v0 =	vadd.f32 v0, v63  }
0x73: {  	v48 =	vadd.f32 v6, v48;
	v6 =	vadd.f32 v6, v60  }
0x74: {  	v60 =	vadd.f32 v44, v38;
	v54 =	vadd.f32 v59, v61;
	v59 =	vadd.s32 s9, v8;
	v8 =	vld [tilespmem:$0x1FF90]  }
0x75: {  	v36 =	vadd.f32 v41, v36;
	v6 =	vadd.f32 v6, v42  }
0x76: {  	v0 =	vadd.f32 v0, v43;
	v63 =	vadd.f32 v60, v39  }
0x77: {  	v39 =	vld [tilespmem:$0x1FF60];
	v4 =	vadd.f32 v50, v2;
	v2 =	vadd.f32 v61, v2  }
0x78: {  	v41 =	vld [tilespmem:$0x1FF70];
	v45 =	vadd.f32 v48, v53;
	v53 =	vadd.f32 v52, v49  }
0x79: {  	v1 =	vadd.f32 v62, v1;
	v2 =	vadd.f32 v2, v43;
	v43 =	vld [tilespmem:$0x1FFD0];
	v61 =	vadd.s32 s9, v8;
	v62 =	vpop (erf)  }
0x7a: {  	v5 =	vadd.f32 v5, v37;
	v3 =	vadd.f32 v53, v45;
	v45 =	vld [tilespmem:$0x1FFE0];
	v37 =	vmul.f32 v62, v55  }
0x7b: {  	v4 =	vadd.f32 v4, v6;
	v1 =	vmul.f32 v62, v1  }
0x7c: {  	v5 =	vadd.f32 v54, v5;
	v7 =	vadd.s32 s9, v39;
	v3 =	vmul.f32 v62, v3;
	[tilespmem:v56+s7+$0x0] =	vst.idx.msk $0xffff, v37  }
0x7d: {  	s12 =	smov.u32 s10;
	v0 =	vadd.f32 v0, v63;
	v4 =	vmul.f32 v62, v4;
	[tilespmem:v59+s7+$0x0] =	vst.idx.msk $0xffff, v1;
	v1 =	vadd.s32 s9, v41  }
0x7e: {  	v2 =	vadd.f32 v2, v36;
	v6 =	vadd.s32 s12, v43;
	v44 =	vmul.f32 v62, v5;
	[tilespmem:v61+s7+$0x0] =	vst.idx.msk $0xffff, v3  }
0x7f: {  	v5 =	vadd.s32 s12, v45;
	v0 =	vmul.f32 v62, v0;
	[tilespmem:v57+s7+$0x0] =	vst.idx.msk $0xffff, v4  }
0x80: {  	v48 =	vadd.s32 s12, v35;
	v2 =	vmul.f32 v62, v2;
	[tilespmem:v58+s7+$0x0] =	vst.idx.msk $0xffff, v44  }
0x81: {  	v49 =	vadd.s32 s12, v34;
	[tilespmem:v7+s7+$0x0] =	vst.idx.msk $0xffff, v0  }
0x82: {  	v50 =	vadd.s32 s12, v33;
	v8 =	vld [tilespmem:$0x1FFF0];
	[tilespmem:v1+s7+$0x0] =	vst.idx.msk $0xffff, v2  }
0x83: {  	v51 =	vadd.s32 s12, v32;
	v38 =	vld.idx.msk [tilespmem:v6+s2+$0x0], $0xffff  }
0x84: {  	v52 =	vadd.s32 s12, v31;
	v39 =	vld.idx.msk [tilespmem:v5+s2+$0x0], $0xffff  }
0x85: {  	v53 =	vadd.s32 s12, v30;
	v37 =	vld.idx.msk [tilespmem:v48+s2+$0x0], $0xffff  }
0x86: {  	v54 =	vadd.s32 s12, v29;
	v41 =	vld.idx.msk [tilespmem:v49+s2+$0x0], $0xffff  }
0x87: {  	v55 =	vadd.s32 s12, v28;
	v42 =	vld.idx.msk [tilespmem:v50+s2+$0x0], $0xffff  }
0x88: {  	v56 =	vadd.s32 s12, v27;
	v43 =	vld.idx.msk [tilespmem:v51+s2+$0x0], $0xffff  }
0x89: {  	v59 =	vadd.s32 s12, v10;
	v44 =	vld.idx.msk [tilespmem:v52+s2+$0x0], $0xffff  }
0x8a: {  	v60 =	vadd.s32 s12, v23;
	v40 =	vld.idx.msk [tilespmem:v53+s2+$0x0], $0xffff  }
0x8b: {  	v62 =	vadd.s32 s12, v22;
	v45 =	vld.idx.msk [tilespmem:v54+s2+$0x0], $0xffff  }
0x8c: {  	v46 =	vadd.s32 s12, v20;
	v36 =	vld.idx.msk [tilespmem:v55+s2+$0x0], $0xffff  }
0x8d: {  	v57 =	vadd.s32 s12, v26;
	v47 =	vld.idx.msk [tilespmem:v56+s2+$0x0], $0xffff  }
0x8e: {  	v58 =	vadd.s32 s12, v25;
	v6 =	vld.idx.msk [tilespmem:v59+s2+$0x0], $0xffff  }
0x8f: {  	v0 =	vadd.s32 s12, v17;
	v4 =	vld.idx.msk [tilespmem:v60+s2+$0x0], $0xffff  }
0x90: {  	v48 =	vadd.s32 s12, v21;
	v49 =	vld.idx.msk [tilespmem:v62+s2+$0x0], $0xffff  }
0x91: {  	v51 =	vadd.s32 s12, v19;
	v59 =	vld.idx.msk [tilespmem:v46+s2+$0x0], $0xffff  }
0x92: {  	v50 =	vadd.s32 s12, v18;
	v1 =	vld.idx.msk [tilespmem:v57+s2+$0x0], $0xffff  }
0x93: {  	v54 =	vadd.s32 s12, v16;
	v2 =	vld.idx.msk [tilespmem:v58+s2+$0x0], $0xffff  }
0x94: {  	v53 =	vadd.s32 s12, v15;
	v0 =	vld.idx.msk [tilespmem:v0+s2+$0x0], $0xffff  }
0x95: {  	v52 =	vadd.s32 s12, v14;
	v48 =	vld.idx.msk [tilespmem:v48+s2+$0x0], $0xffff  }
0x96: {  	v55 =	vadd.s32 s12, v11;
	v51 =	vld.idx.msk [tilespmem:v51+s2+$0x0], $0xffff  }
0x97: {  	v56 =	vadd.s32 s12, v12;
	v50 =	vld.idx.msk [tilespmem:v50+s2+$0x0], $0xffff  }
0x98: {  	v57 =	vadd.s32 s12, v13;
	v54 =	vld.idx.msk [tilespmem:v54+s2+$0x0], $0xffff  }
0x99: {  	v7 =	vadd.s32 s12, v24;
	v53 =	vld.idx.msk [tilespmem:v53+s2+$0x0], $0xffff  }
0x9a: {  	v52 =	vld.idx.msk [tilespmem:v52+s2+$0x0], $0xffff  }
0x9b: {  	v46 =	vadd.s32 s12, v8;
	v55 =	vld.idx.msk [tilespmem:v55+s2+$0x0], $0xffff  }
0x9c: {  	v56 =	vld.idx.msk [tilespmem:v56+s2+$0x0], $0xffff  }
0x9d: {  	v5 =	vmax.f32 v39, v38;
	v61 =	vmax.f32 v41, v37;
	v57 =	vld.idx.msk [tilespmem:v57+s2+$0x0], $0xffff  }
0x9e: {  	v63 =	vmax.f32 v40, v44;
	v3 =	vmax.f32 v61, v5;
	v5 =	vld.idx.msk [tilespmem:v7+s2+$0x0], $0xffff  }
0x9f: {  	v60 =	vmax.f32 v43, v42;
	v61 =	vmax.f32 v36, v45;
	v62 =	vmax.f32 v1, v47  }
0xa0: {  	v46 =	vld.idx.msk [tilespmem:v46+s2+$0x0], $0xffff;
	v58 =	vmax.f32 v63, v60;
	v60 =	vmax.f32 v49, v4;
	v7 =	vmax.f32 v62, v61  }
0xa1: {  	v61 =	vmax.f32 v59, v48;
	v62 =	vmax.f32 v50, v51;
	v63 =	vmax.f32 v54, v0  }
0xa2: {  	v61 =	vmax.f32 v62, v61;
	v62 =	vmax.f32 v52, v53;
	v8 =	vmax.f32 v56, v57  }
0xa3: {  	v9 =	vmax.f32 v5, v2;
	v62 =	vmax.f32 v62, v63;
	v63 =	vmax.f32 v6, v55  }
0xa4: {  	v7 =	vmax.f32 v7, v58;
	v9 =	vmax.f32 v60, v9;
	v8 =	vmax.f32 v63, v8  }
0xa5: {  	v3 =	vmax.f32 v3, v46;
	v9 =	vmax.f32 v61, v9;
	v8 =	vmax.f32 v8, v62  }
0xa6: {  	v3 =	vmax.f32 v7, v3;
	v8 =	vmax.f32 v8, v9  }
0xa7: {  	v3 =	vmax.f32 v8, v3  }
0xa8: {  	v6 =	vsub.f32 v6, v3;
	v4 =	vsub.f32 v4, v3  }
0xa9: {  	v63 =	vsub.f32 v56, v3;
	v8 =	vsub.f32 v51, v3  }
0xaa: {  	v9 =	vsub.f32 v52, v3;
	v56 =	vsub.f32 v53, v3  }
0xab: {  	v58 =	vsub.f32 v54, v3;
	v0 =	vsub.f32 v0, v3  }
0xac: {  	v50 =	vsub.f32 v50, v3;
	v4 =	vmul.f32 $1.442695020e+00, v4;
	v7 =	vmul.f32 $1.442695020e+00, v63  }
0xad: {  	v60 =	vsub.f32 v59, v3;
	v6 =	vmul.f32 $1.442695020e+00, v6;
	v51 =	vmul.f32 $1.442695020e+00, v56  }
0xae: {  	v48 =	vsub.f32 v48, v3;
	v52 =	vmul.f32 $1.442695020e+00, v58;
	(erf) = vpow2.f32 v4  }
0xaf: {  	v62 =	vsub.f32 v57, v3;
	v61 =	vmul.f32 $1.442695020e+00, v50;
	(erf) = vpow2.f32 v6  }
0xb0: {  	v49 =	vsub.f32 v49, v3;
	v9 =	vmul.f32 $1.442695020e+00, v9;
	(erf) = vpow2.f32 v52  }
0xb1: {  	v5 =	vsub.f32 v5, v3;
	v63 =	vmul.f32 $1.442695020e+00, v60;
	v48 =	vmul.f32 $1.442695020e+00, v48  }
0xb2: {  	v2 =	vsub.f32 v2, v3;
	v56 =	vmul.f32 $1.442695020e+00, v49;
	(erf) = vpow2.f32 v61  }
0xb3: {  	v1 =	vsub.f32 v1, v3;
	v5 =	vmul.f32 $1.442695020e+00, v5;
	(erf) = vpow2.f32 v9  }
0xb4: {  	v57 =	vsub.f32 v47, v3;
	v2 =	vmul.f32 $1.442695020e+00, v2;
	(erf) = vpow2.f32 v48  }
0xb5: {  	v58 =	vsub.f32 v36, v3;
	v6 =	vmul.f32 $1.442695020e+00, v62;
	(erf) = vpow2.f32 v51  }
0xb6: {  	v59 =	vsub.f32 v45, v3;
	v0 =	vmul.f32 $1.442695020e+00, v0;
	(erf) = vpow2.f32 v56  }
0xb7: {  	v41 =	vsub.f32 v41, v3;
	v4 =	vmul.f32 $1.442695020e+00, v58;
	(erf) = vpow2.f32 v6;
	v36 =	vpop (erf)  }
0xb8: {  	v58 =	vmul.f32 $1.442695020e+00, v59;
	v62 =	vsub.f32 v44, v3;
	v6 =	vmul.f32 $1.442695020e+00, v8;
	v47 =	vpop (erf)  }
0xb9: {  	v61 =	vsub.f32 v40, v3;
	v8 =	vmul.f32 $1.442695020e+00, v57;
	v40 =	vpop (erf);
	(erf) = vpow2.f32 v5  }
0xba: {  	v52 =	vmul.f32 $1.442695020e+00, v1;
	v9 =	vsub.f32 v55, v3;
	(erf) = vpow2.f32 v63  }
0xbb: {  	v1 =	vmul.f32 $1.442695020e+00, v61;
	v63 =	vsub.f32 v43, v3;
	v43 =	vpop (erf);
	(erf) = vpow2.f32 v8  }
0xbc: {  	v9 =	vmul.f32 $1.442695020e+00, v9;
	v8 =	vsub.f32 v42, v3;
	v42 =	vpop (erf);
	(erf) = vpow2.f32 v4  }
0xbd: {  	v50 =	vsub.f32 v37, v3;
	v49 =	vmul.f32 $1.442695020e+00, v63;
	(erf) = vpow2.f32 v7;
	v7 =	vpop (erf)  }
0xbe: {  	v44 =	vsub.f32 v38, v3;
	v5 =	vmul.f32 $1.442695020e+00, v62;
	v60 =	vpop (erf);
	(erf) = vpow2.f32 v1  }
0xbf: {  	v62 =	vmul.f32 $1.442695020e+00, v41;
	v63 =	vsub.f32 v39, v3;
	v61 =	vpop (erf);
	(erf) = vpow2.f32 v49  }
0xc0: {  	v3 =	vsub.f32 v46, v3;
	v8 =	vmul.f32 $1.442695020e+00, v8;
	v53 =	vpop (erf);
	(erf) = vpow2.f32 v5  }
0xc1: {  	v4 =	vmul.f32 $1.442695020e+00, v44;
	(erf) = vpow2.f32 v9  }
0xc2: {  	v59 =	vmul.f32 $1.442695020e+00, v3;
	v48 =	vpop (erf);
	(erf) = vpow2.f32 v8  }
0xc3: {  	v5 =	vmul.f32 $1.442695020e+00, v63;
	v56 =	vpop (erf);
	(erf) = vpow2.f32 v62  }
0xc4: {  	p0 =	sne.s32 s10, $0xE630;
	v45 =	vadd.f32 v60, v42;
	v37 =	vadd.f32 v7, v60;
	(erf) = vpow2.f32 v6;
	v38 =	vpop (erf)  }
.Ltmp0:
0xc5: {  	v54 =	vadd.f32 v36, v61;
	v9 =	vmul.f32 $1.442695020e+00, v50;
	v50 =	vpop (erf);
	(erf) = vpow2.f32 v5;
	(pc) =	sbr.rel @p0 .LBB2_2-.Ltmp0, $4  }
0xc6: {  	v46 =	vadd.f32 v61, v7;
	v39 =	vadd.f32 v61, v40;
	v55 =	vpop (erf);
	(erf) = vpow2.f32 v2  }
0xc7: {  	v60 =	vadd.f32 v53, v55;
	v51 =	vadd.f32 v43, v55;
	(erf) = vpow2.f32 v0;
	v55 =	vpop (erf)  }
0xc8: {  	s11 =	sadd.s32 $0x70, s11;
	v46 =	vadd.f32 v46, v36;
	v57 =	vadd.f32 v7, v56;
	v49 =	vpop (erf);
	(erf) = vpow2.f32 v4  }
0xc9: {  	s10 =	sadd.s32 $0x1D0, s10;
	s9 =	smov.u32 s11;
	v42 =	vadd.f32 v56, v42;
	v41 =	vadd.f32 v49, v50;
	v44 =	vpop (erf);
	(erf) = vpow2.f32 v9  }
0xca: {  	v0 =	vpop (erf);
	(erf) = vpow2.f32 v52  }
0xcb: {  	(erf) = vpow2.f32 v58;
	v1 =	vpop (erf)  }
0xcc: {  	v2 =	vpop (erf)  }
0xcd: {  	v3 =	vpop (erf)  }
0xce: {  	v4 =	vpop (erf)  }
0xcf: {  	v5 =	vadd.f32 v0, v47;
	(erf) = vpow2.f32 v59;
	v6 =	vpop (erf)  }
0xd0: {  	v7 =	vadd.f32 v44, v55;
	v8 =	vadd.f32 v3, v43;
	v9 =	vpop (erf)  }
0xd1: {  	v47 =	vadd.f32 v1, v49;
	v5 =	vadd.f32 v60, v5;
	v52 =	vpop (erf)  }
0xd2: {  	v8 =	vadd.f32 v57, v8;
	v40 =	vadd.f32 v9, v40;
	v57 =	vpop (erf)  }
0xd3: {  	v58 =	vadd.f32 v6, v48;
	v61 =	vadd.f32 v52, v4;
	v60 =	vpop (erf)  }
0xd4: {  	v59 =	vadd.f32 v57, v2;
	v40 =	vadd.f32 v40, v45;
	v63 =	vpop (erf)  }
0xd5: {  	v62 =	vadd.f32 v38, v60;
	v45 =	vadd.f32 v63, v50  }
0xd6: {  	v47 =	vadd.f32 v47, v7;
	v54 =	vadd.f32 v58, v54  }
0xd7: {  	v59 =	vadd.f32 v61, v59;
	v45 =	vadd.f32 v45, v62  }
0xd8: {  	v8 =	vadd.f32 v54, v8;
	v5 =	vadd.f32 v40, v5;
	v40 =	vpop (erf)  }
0xd9: {  	v61 =	vadd.f32 v59, v40;
	v45 =	vadd.f32 v47, v45;
	_ =	sdelay $0x1  }
0xda: {  	v5 =	vadd.f32 v8, v5;
	v8 =	vadd.f32 v61, v45;
	_ =	sdelay $0x1  }
0xdb: {  	v5 =	vadd.f32 v8, v5  }
0xdc: {  	v0 =	vadd.f32 v43, v0;
	v56 =	vadd.f32 v56, v3  }
0xdd: {  	(erf) = vrcp.f32 v5  }
0xde: {  	v0 =	vadd.f32 v56, v0  }
0xdf: {  	v3 =	vadd.f32 v3, v53;
	v47 =	vld [tilespmem:$0x1FFC0]  }
0xe0: {  	v0 =	vadd.f32 v46, v0;
	v6 =	vadd.f32 v63, v6  }
0xe1: {  	v59 =	vadd.f32 v4, v1;
	v1 =	vadd.f32 v2, v1  }
0xe2: {  	v2 =	vadd.f32 v4, v2;
	v4 =	vadd.f32 v52, v57  }
0xe3: {  	v61 =	vadd.f32 v63, v48;
	v63 =	vadd.f32 v59, v52  }
0xe4: {  	v8 =	vadd.f32 v36, v9;
	v9 =	vadd.f32 v55, v60;
	v55 =	vld [tilespmem:$0x1FFB0];
	v52 =	vadd.s32 s9, v47  }
0xe5: {  	v5 =	vadd.f32 v62, v50;
	v62 =	vadd.f32 v58, v51;
	v58 =	vld [tilespmem:$0x1FF90]  }
0xe6: {  	v7 =	vadd.f32 v7, v49;
	v53 =	vld [tilespmem:$0x1FFA0];
	v6 =	vadd.f32 v6, v42;
	v59 =	vpop (erf)  }
0xe7: {  	v1 =	vadd.f32 v1, v57;
	v60 =	vld [tilespmem:$0x1FF80];
	v9 =	vadd.f32 v9, v37;
	v0 =	vmul.f32 v59, v0  }
0xe8: {  	v3 =	vadd.f32 v61, v3;
	v5 =	vadd.f32 v5, v62;
	v62 =	vld [tilespmem:$0x1FF60]  }
0xe9: {  	v2 =	vadd.f32 v2, v40;
	v56 =	vadd.s32 s9, v55;
	[tilespmem:v52+s7+$0x0] =	vst.idx.msk $0xffff, v0;
	v0 =	vadd.f32 v63, v9;
	v63 =	vld [tilespmem:$0x1FF70]  }
0xea: {  	v57 =	vadd.f32 v44, v38;
	v3 =	vadd.f32 v7, v3;
	v7 =	vadd.s32 s9, v58  }
0xeb: {  	v54 =	vadd.s32 s9, v53;
	v4 =	vadd.f32 v4, v40;
	v1 =	vadd.f32 v1, v6  }
0xec: {  	v6 =	vadd.f32 v57, v39;
	v61 =	vadd.s32 s9, v60;
	v5 =	vmul.f32 v59, v5  }
0xed: {  	v8 =	vadd.f32 v41, v8;
	v3 =	vmul.f32 v59, v3;
	v9 =	vadd.s32 s9, v62  }
0xee: {  	v2 =	vadd.f32 v2, v6;
	v1 =	vmul.f32 v59, v1;
	[tilespmem:v56+s7+$0x0] =	vst.idx.msk $0xffff, v5;
	v5 =	vadd.s32 s9, v63  }
0xef: {  	[tilespmem:v7+s7+$0x0] =	vst.idx.msk $0xffff, v3;
	v0 =	vmul.f32 v59, v0;
	v3 =	vadd.f32 v4, v8  }
0xf0: {  	[tilespmem:v54+s7+$0x0] =	vst.idx.msk $0xffff, v1;
	v1 =	vmul.f32 v59, v2  }
0xf1: {  	[tilespmem:v61+s7+$0x0] =	vst.idx.msk $0xffff, v0;
	v0 =	vmul.f32 v59, v3  }
0xf2: {  	[tilespmem:v9+s7+$0x0] =	vst.idx.msk $0xffff, v1  }
0xf3: {  	s8 =	sadd.s32 $0x1, s8;
	[tilespmem:v5+s7+$0x0] =	vst.idx.msk $0xffff, v0  }
0xf4: {  	[hbm4b:s4+s2] =	stream.linear.scatter [tilespmem:s7], [sflag:$0x1], $0x3800, $0x38;
	[tilespmem:$0x12000] =	vst v63  }
0xf5: {  	p0 =	sne.s32 s8, s5;
	_ =	swait.ge [sflag:s6], $0x3800  }
.Ltmp1:
0xf6: {  	v3 =	vld [tilespmem:$0x1FFD0];
	(pc) =	sbr.rel @p0 .LBB2_1-.Ltmp1, $3  }
0xf7: {  	v2 =	vld [tilespmem:$0x1FFE0];
	_ =	sdelay $0x1  }
0xf8: {  	[sflag:s6] =	ssyncset.done $0x0  }
0xf9: {  	v0 =	vmov v26;
	v4 =	vld [tilespmem:$0x1FFF0];
	[sflag:s6] =	ssyncadd.s32 $0xFFFFC800  }
0xfa: {  	_ =	sfence.sel $0x180000  }
0xfb: {  	[bflag:$0x0] =	sbarrier.arrive $0xFFFF  }
0xfc: {  	p0 =	sne.s32 s0, $0x0;
	_ =	strace $0x90000047  }
0xfd: {  	s0 =	sadd.s32 @!p0 $0x100000, s1;
	[bflag:$0x2] =	sbarrier.arrive $0xFFFF  }
0xfe: {  	[sflag:s0] =	ssyncadd.tile.s32 @!p0 $0x1;
	_ =	shalt  }
.Lfunc_end2:
_tile_overlayer_lowered:
.L_overlay_start_2:
0xff: {  	(tag) =	ssettag $0x2  }
0x100: {  	s0 =	rddreg [dreg:$0x0];
	s2 =	stileid.u32  }
0x101: {  	s1 =	rddreg [dreg:$0x1];
	p0 =	sne.s32 s2, $0x0  }
0x102: {  	s3 =	rddreg [dreg:$0x2];
	[bflag:$0x3] =	sbarrier.arrive $0xFFFF;
	s2 =	simm.s32 @!p0 $0x1C01  }
0x103: {  	[timem:s3], [sflag:s2] =	dma.local @!p0 [hbm:s0], s1  }
0x104: {  	s0 =	simm.s32 @!p0 $0x1  }
0x105: {  	_ =	swait.ge @!p0 [sflag:s0], s1  }
0x106: {  	s1 =	ssub.s32 @!p0 $0x0, s1;
	[sflag:s0] =	ssyncset.done @!p0 $0x0  }
0x107: {  	[sflag:s0] =	ssyncadd.s32 @!p0 s1  }
0x108: {  	[bflag:$0x3] =	sbarrier.arrive $0xFFFF  }
0x109: {  	_ =	shalt  }

</sc_bundles>
